<compile_context>
chip_gen: v7x
topology: tpu7x:2x2x1
jax: 0.10.2.dev20260603
libtpu: 0.0.44.dev20260713+nightly
codegen_flags: <defaults>
</compile_context>

<pallas_src>
import functools

import jax
import jax.numpy as jnp
from jax import lax
from jax.experimental import pallas as pl
from jax.experimental.pallas import tpu as pltpu
from jax.experimental.pallas import tpu_sc as plsc

_N_IMGS = 100000
_BATCH = 16384
_NW = 32
_PER_W = _BATCH // _NW
_L = 16
_CSTRIDE = _N_IMGS // _L


def _build_gather_kernel():
    mesh = plsc.VectorSubcoreMesh(core_axis_name="c", subcore_axis_name="s")

    @functools.partial(
        pl.kernel,
        mesh=mesh,
        out_type=[
            jax.ShapeDtypeStruct((_BATCH * 4,), jnp.float32),
            jax.ShapeDtypeStruct((_BATCH * 4,), jnp.float32),
            jax.ShapeDtypeStruct((_L,), jnp.float32),
        ],
        scratch_types=[
            pltpu.VMEM((_PER_W,), jnp.int32),
            pltpu.VMEM((4 * _PER_W,), jnp.int32),
            pltpu.VMEM((3 * _PER_W,), jnp.int32),
            pltpu.VMEM((4 * _PER_W, _L), jnp.float32),
            pltpu.VMEM((3 * _PER_W, _L), jnp.float32),
            pltpu.VMEM((4 * _PER_W,), jnp.float32),
            pltpu.VMEM((4 * _PER_W,), jnp.float32),
            pltpu.VMEM((_L,), jnp.float32),
            pltpu.SemaphoreType.DMA,
            pltpu.SemaphoreType.DMA,
        ],
        compiler_params=pltpu.CompilerParams(
            use_tc_tiling_on_sc=False, needs_layout_passes=False,
            disable_bounds_checks=True, disable_semaphore_checks=True),
    )
    def gather_k(phi_hbm, t_hbm, f_hbm, idx_hbm,
                 phi_out, t_out, fx_out,
                 idx_v, gphi_v, gt_v, phi_rows, t_rows, phi_x, t_x,
                 f_v, sem_a, sem_b):
        wid = lax.axis_index("s") * 2 + lax.axis_index("c")
        base = wid * _PER_W

        pltpu.sync_copy(idx_hbm.at[pl.ds(base, _PER_W)], idx_v)

        lanes = lax.iota(jnp.int32, _L)

        def gidx_body(s, carry):
            p = s * _L + lanes
            g0 = lax.shift_right_logical(plsc.load_gather(idx_v, [p]), 4)
            for c in range(4):
                plsc.store_scatter(gphi_v, [c * _PER_W + p], g0 + c * _CSTRIDE)
            for c in range(3):
                plsc.store_scatter(gt_v, [c * _PER_W + p], g0 + c * _CSTRIDE)
            return carry

        lax.fori_loop(0, _PER_W // _L, gidx_body, 0)

        cp_phi = pltpu.async_copy(phi_hbm.at[gphi_v], phi_rows, sem_a)
        cp_t = pltpu.async_copy(t_hbm.at[gt_v], t_rows, sem_b)

        @pl.when(wid == 0)
        def _():
            pltpu.sync_copy(f_hbm, f_v)
            val = f_v[...]
            f_v[...] = val * val * 1000.0
            pltpu.sync_copy(f_v, fx_out)

        cp_phi.wait()

        def phi_body(s, carry):
            p = s * _L + lanes
            iv = plsc.load_gather(idx_v, [p])
            col = lax.bitwise_and(iv, _L - 1)
            dst = (lax.shift_right_logical(s, 3) * 512
                   + lax.bitwise_and(s, 7) * _L + lanes)
            for c in range(4):
                val = plsc.load_gather(phi_rows, [c * _PER_W + p, col])
                plsc.store_scatter(phi_x, [dst + c * 128], val)
            return carry

        lax.fori_loop(0, _PER_W // _L, phi_body, 0)
        pltpu.sync_copy(phi_x, phi_out.at[pl.ds(base * 4, 4 * _PER_W)])

        cp_t.wait()

        def t_body(s, carry):
            p = s * _L + lanes
            iv = plsc.load_gather(idx_v, [p])
            col = lax.bitwise_and(iv, _L - 1)
            dst = (lax.shift_right_logical(s, 3) * 512
                   + lax.bitwise_and(s, 7) * _L + lanes)
            for c in range(3):
                val = plsc.load_gather(t_rows, [c * _PER_W + p, col])
                plsc.store_scatter(t_x, [dst + c * 128], val)
            return carry

        lax.fori_loop(0, _PER_W // _L, t_body, 0)
        pltpu.sync_copy(t_x, t_out.at[pl.ds(base * 4, 4 * _PER_W)])

    return gather_k


_gather = _build_gather_kernel()


def kernel(phi, t, f, indices):
    idx = indices.astype(jnp.int32)
    phi_cm = phi.T.reshape(4 * _CSTRIDE, _L)
    t_cm = t.T.reshape(3 * _CSTRIDE, _L)
    f16 = jnp.broadcast_to(f.astype(jnp.float32), (_L,))
    phi_sw, t_flat, fx16 = _gather(phi_cm, t_cm, f16, idx)
    phi_sel = (phi_sw.reshape(_BATCH // 128, 4, 128)
               .transpose(0, 2, 1).reshape(_BATCH, 4))
    t_sel = (t_flat.reshape(_BATCH // 128, 4, 128)
             .transpose(0, 2, 1).reshape(_BATCH, 4))[:, :3]
    fx = fx16[:1]
    cx = jnp.asarray(500.0, jnp.float32)
    cy = jnp.asarray(500.0, jnp.float32)
    return (phi_sel, t_sel, fx, fx, cx, cy)

# --- scband reference (transcript-rebuilt; emitter-appended) ---
"""Pipeline reference for scband-cam-params-18296560681331 (READ-ONLY COPY).

The authoritative reference and input builder live on the scoring server;
editing this copy changes nothing except your own understanding.
"""

import jax, jax.numpy as jnp
import numpy as np

H0 = 1000.0
W0 = 1000.0
N_IMGS = 100000
BATCH = 16384


def setup_inputs(seed: int = 0) -> dict:
    key = jax.random.key(seed)
    k1, k2, k3, k4 = jax.random.split(key, 4)
    # Learned parameters (nn.Parameter in the torch module)
    phi = jax.random.normal(k1, (N_IMGS, 4), dtype=jnp.float32)  # quaternion per image
    t = jax.random.normal(k2, (N_IMGS, 3), dtype=jnp.float32)    # translation per image
    f = jax.random.uniform(k3, (1,), dtype=jnp.float32) + 0.5    # shared focal param (sqrt of ratio, intr_repr='square')
    # Forward input
    indices = jax.random.randint(k4, (BATCH,), 0, N_IMGS, dtype=jnp.int64 if jax.config.read('jax_enable_x64') else jnp.int32)
    return {"phi": phi, "t": t, "f": f, "indices": indices}


def reference(phi, t, f, indices):
    # get_focal with intr_repr='square'
    ff = f ** 2
    fx = ff * (W0 + H0) / 2.0
    fy = ff * (W0 + H0) / 2.0
    cx = W0 / 2.0
    cy = H0 / 2.0
    # embedding-style gathers over the per-image parameter tables
    phi_sel = jnp.take(phi, indices, axis=0)
    t_sel = jnp.take(t, indices, axis=0)
    return (phi_sel, t_sel, fx, fy, jnp.asarray(cx, jnp.float32), jnp.asarray(cy, jnp.float32))

if __name__ == "__main__":
    import jax
    _d = setup_inputs()
    print(jax.jit(kernel)(*tuple(_d.values())))

</pallas_src>

<mosaic_0001>
#map = affine_map<(d0, d1) -> (0, 0)>
#map1 = affine_map<(d0, d1) -> (0)>
module attributes {stable_mosaic.version = 14 : i64} {
  func.func @gather_k(%arg0: i32, %arg1: i32, %arg2: memref<25000x16xf32, #tpu.memory_space<hbm>>, %arg3: memref<18750x16xf32, #tpu.memory_space<hbm>>, %arg4: memref<16xf32, #tpu.memory_space<hbm>>, %arg5: memref<16384xi32, #tpu.memory_space<hbm>>, %arg6: memref<65536xf32, #tpu.memory_space<hbm>>, %arg7: memref<65536xf32, #tpu.memory_space<hbm>>, %arg8: memref<16xf32, #tpu.memory_space<hbm>>, %arg9: memref<512xi32, #tpu.memory_space<vmem>>, %arg10: memref<2048xi32, #tpu.memory_space<vmem>>, %arg11: memref<1536xi32, #tpu.memory_space<vmem>>, %arg12: memref<2048x16xf32, #tpu.memory_space<vmem>>, %arg13: memref<1536x16xf32, #tpu.memory_space<vmem>>, %arg14: memref<2048xf32, #tpu.memory_space<vmem>>, %arg15: memref<2048xf32, #tpu.memory_space<vmem>>, %arg16: memref<16xf32, #tpu.memory_space<vmem>>, %arg17: memref<!tpu.dma_semaphore, #tpu.memory_space<semaphore_mem>>, %arg18: memref<!tpu.dma_semaphore, #tpu.memory_space<semaphore_mem>>) attributes {dimension_semantics = [#tpu.dimension_semantics<core_parallel>, #tpu.dimension_semantics<subcore_parallel>], iteration_bounds = array<i64: 2, 16>, scalar_prefetch = 0 : i64, scratch_operands = 10 : i64, tpu.core_type = #tpu.core_type<sc_vector_subcore>, window_params = [{transform_indices = #map}, {transform_indices = #map}, {transform_indices = #map1}, {transform_indices = #map1}, {transform_indices = #map1}, {transform_indices = #map1}, {transform_indices = #map1}]} {
    %mul3A = arith.constant 2 : i32
    %mul3A_0 = arith.muli %arg1, %mul3A : i32
    %add3A = arith.addi %mul3A_0, %arg0 : i32
    %mul3A_1 = arith.constant 512 : i32
    %mul3A_2 = arith.muli %add3A, %mul3A_1 : i32
    "tpu.region"() ({
      %run_scoped3A = tpu.sem_alloc : memref<!tpu.dma_semaphore, #tpu.memory_space<semaphore_mem>>
      %dma_start3A_36 = tpu.memref_slice %arg5[%mul3A_2] : memref<16384xi32, #tpu.memory_space<hbm>> -> memref<512xi32, #tpu.memory_space<hbm>>
      %dma_start3A_37 = tpu.memref_slice %arg5[%mul3A_2] : memref<16384xi32, #tpu.memory_space<hbm>> -> memref<512xi32, #tpu.memory_space<hbm>>
      tpu.enqueue_dma source(%dma_start3A_37 : memref<512xi32, #tpu.memory_space<hbm>>) target(%arg9 : memref<512xi32, #tpu.memory_space<vmem>>) target_semaphore(%run_scoped3A : memref<!tpu.dma_semaphore, #tpu.memory_space<semaphore_mem>>)
      %dma_wait3A_38 = tpu.memref_slice %arg5[%mul3A_2] : memref<16384xi32, #tpu.memory_space<hbm>> -> memref<512xi32, #tpu.memory_space<hbm>>
      %dma_wait3A_39 = tpu.memref_slice %arg5[%mul3A_2] : memref<16384xi32, #tpu.memory_space<hbm>> -> memref<512xi32, #tpu.memory_space<hbm>>
      tpu.wait_dma2 semaphore(%run_scoped3A : memref<!tpu.dma_semaphore, #tpu.memory_space<semaphore_mem>>) src(%dma_wait3A_39 : memref<512xi32, #tpu.memory_space<hbm>>) dst(%arg9 : memref<512xi32, #tpu.memory_space<vmem>>)
      tpu.yield
    }) : () -> ()
    %iota3A = tpu.iota {dimensions = array<i32: 0>} : vector<16xi32>
    %scan3A = arith.constant 0 : i32
    %scan3A_3 = arith.constant 0 : i32
    %scan3A_4 = arith.constant 32 : i32
    %scan3A_5 = arith.addi %scan3A_3, %scan3A_4 : i32
    %scan3A_6 = arith.constant 1 : i32
    scf.for %scan3A_36 = %scan3A_3 to %scan3A_5 step %scan3A_6  : i32 {
      %mul3A_37 = arith.constant 16 : i32
      %mul3A_38 = arith.muli %scan3A_36, %mul3A_37 : i32
      %add3A_39 = vector.broadcast %mul3A_38 : i32 to vector<16xi32>
      %add3A_40 = arith.addi %add3A_39, %iota3A : vector<16xi32>
      %gather3A = tpu.vector_load_idx %arg9[%add3A_40] : memref<512xi32, #tpu.memory_space<vmem>>[vector<16xi32>], vector<16xi32>,
      %shift_right_logical3A = arith.constant 4 : i32
      %shift_right_logical3A_41 = vector.broadcast %shift_right_logical3A : i32 to vector<16xi32>
      %shift_right_logical3A_42 = arith.shrui %gather3A, %shift_right_logical3A_41 : vector<16xi32>
      %add3A_43 = arith.constant 0 : i32
      %add3A_44 = vector.broadcast %add3A_43 : i32 to vector<16xi32>
      %add3A_45 = arith.addi %add3A_44, %add3A_40 : vector<16xi32>
      %add3A_46 = arith.constant 0 : i32
      %add3A_47 = vector.broadcast %add3A_46 : i32 to vector<16xi32>
      %add3A_48 = arith.addi %shift_right_logical3A_42, %add3A_47 : vector<16xi32>
      tpu.vector_store_idx %arg10[%add3A_45], %add3A_48 : memref<2048xi32, #tpu.memory_space<vmem>>[vector<16xi32>], vector<16xi32>,
      %add3A_49 = arith.constant 512 : i32
      %add3A_50 = vector.broadcast %add3A_49 : i32 to vector<16xi32>
      %add3A_51 = arith.addi %add3A_50, %add3A_40 : vector<16xi32>
      %add3A_52 = arith.constant 6250 : i32
      %add3A_53 = vector.broadcast %add3A_52 : i32 to vector<16xi32>
      %add3A_54 = arith.addi %shift_right_logical3A_42, %add3A_53 : vector<16xi32>
      tpu.vector_store_idx %arg10[%add3A_51], %add3A_54 : memref<2048xi32, #tpu.memory_space<vmem>>[vector<16xi32>], vector<16xi32>,
      %add3A_55 = arith.constant 1024 : i32
      %add3A_56 = vector.broadcast %add3A_55 : i32 to vector<16xi32>
      %add3A_57 = arith.addi %add3A_56, %add3A_40 : vector<16xi32>
      %add3A_58 = arith.constant 12500 : i32
      %add3A_59 = vector.broadcast %add3A_58 : i32 to vector<16xi32>
      %add3A_60 = arith.addi %shift_right_logical3A_42, %add3A_59 : vector<16xi32>
      tpu.vector_store_idx %arg10[%add3A_57], %add3A_60 : memref<2048xi32, #tpu.memory_space<vmem>>[vector<16xi32>], vector<16xi32>,
      %add3A_61 = arith.constant 1536 : i32
      %add3A_62 = vector.broadcast %add3A_61 : i32 to vector<16xi32>
      %add3A_63 = arith.addi %add3A_62, %add3A_40 : vector<16xi32>
      %add3A_64 = arith.constant 18750 : i32
      %add3A_65 = vector.broadcast %add3A_64 : i32 to vector<16xi32>
      %add3A_66 = arith.addi %shift_right_logical3A_42, %add3A_65 : vector<16xi32>
      tpu.vector_store_idx %arg10[%add3A_63], %add3A_66 : memref<2048xi32, #tpu.memory_space<vmem>>[vector<16xi32>], vector<16xi32>,
      %add3A_67 = arith.constant 0 : i32
      %add3A_68 = vector.broadcast %add3A_67 : i32 to vector<16xi32>
      %add3A_69 = arith.addi %add3A_68, %add3A_40 : vector<16xi32>
      %add3A_70 = arith.constant 0 : i32
      %add3A_71 = vector.broadcast %add3A_70 : i32 to vector<16xi32>
      %add3A_72 = arith.addi %shift_right_logical3A_42, %add3A_71 : vector<16xi32>
      tpu.vector_store_idx %arg11[%add3A_69], %add3A_72 : memref<1536xi32, #tpu.memory_space<vmem>>[vector<16xi32>], vector<16xi32>,
      %add3A_73 = arith.constant 512 : i32
      %add3A_74 = vector.broadcast %add3A_73 : i32 to vector<16xi32>
      %add3A_75 = arith.addi %add3A_74, %add3A_40 : vector<16xi32>
      %add3A_76 = arith.constant 6250 : i32
      %add3A_77 = vector.broadcast %add3A_76 : i32 to vector<16xi32>
      %add3A_78 = arith.addi %shift_right_logical3A_42, %add3A_77 : vector<16xi32>
      tpu.vector_store_idx %arg11[%add3A_75], %add3A_78 : memref<1536xi32, #tpu.memory_space<vmem>>[vector<16xi32>], vector<16xi32>,
      %add3A_79 = arith.constant 1024 : i32
      %add3A_80 = vector.broadcast %add3A_79 : i32 to vector<16xi32>
      %add3A_81 = arith.addi %add3A_80, %add3A_40 : vector<16xi32>
      %add3A_82 = arith.constant 12500 : i32
      %add3A_83 = vector.broadcast %add3A_82 : i32 to vector<16xi32>
      %add3A_84 = arith.addi %shift_right_logical3A_42, %add3A_83 : vector<16xi32>
      tpu.vector_store_idx %arg11[%add3A_81], %add3A_84 : memref<1536xi32, #tpu.memory_space<vmem>>[vector<16xi32>], vector<16xi32>,
    }
    %scan3A_7 = arith.constant 32 : i32
    %dma_start3A = arith.constant 0 : i32
    %dma_start3A_8 = arith.constant 0 : i32
    %dma_start3A_9 = tpu.memref_slice %arg2[%dma_start3A, %dma_start3A_8] : memref<25000x16xf32, #tpu.memory_space<hbm>> -> memref<25000x16xf32, #tpu.memory_space<hbm>>
    tpu.enqueue_indirect_dma source(%dma_start3A_9 : memref<25000x16xf32, #tpu.memory_space<hbm>>) target(%arg12 : memref<2048x16xf32, #tpu.memory_space<vmem>>) offsets(%arg10 : memref<2048xi32, #tpu.memory_space<vmem>>) semaphore(%arg17 : memref<!tpu.dma_semaphore, #tpu.memory_space<semaphore_mem>>)
    %dma_start3A_10 = arith.constant 0 : i32
    %dma_start3A_11 = arith.constant 0 : i32
    %dma_start3A_12 = tpu.memref_slice %arg3[%dma_start3A_10, %dma_start3A_11] : memref<18750x16xf32, #tpu.memory_space<hbm>> -> memref<18750x16xf32, #tpu.memory_space<hbm>>
    tpu.enqueue_indirect_dma source(%dma_start3A_12 : memref<18750x16xf32, #tpu.memory_space<hbm>>) target(%arg13 : memref<1536x16xf32, #tpu.memory_space<vmem>>) offsets(%arg11 : memref<1536xi32, #tpu.memory_space<vmem>>) semaphore(%arg18 : memref<!tpu.dma_semaphore, #tpu.memory_space<semaphore_mem>>)
    %eq3A = arith.constant 0 : i32
    %eq3A_13 = arith.cmpi eq, %add3A, %eq3A : i32
    %convert_element_type3A = arith.extui %eq3A_13 : i1 to i32
    %cond3A = arith.constant 0 : i32
    %cond3A_14 = arith.cmpi ne, %convert_element_type3A, %cond3A : i32
    scf.if %cond3A_14 {
      "tpu.region"() ({
        %run_scoped3A = tpu.sem_alloc : memref<!tpu.dma_semaphore, #tpu.memory_space<semaphore_mem>>
        tpu.enqueue_dma source(%arg4 : memref<16xf32, #tpu.memory_space<hbm>>) target(%arg16 : memref<16xf32, #tpu.memory_space<vmem>>) target_semaphore(%run_scoped3A : memref<!tpu.dma_semaphore, #tpu.memory_space<semaphore_mem>>)
        tpu.wait_dma2 semaphore(%run_scoped3A : memref<!tpu.dma_semaphore, #tpu.memory_space<semaphore_mem>>) src(%arg4 : memref<16xf32, #tpu.memory_space<hbm>>) dst(%arg16 : memref<16xf32, #tpu.memory_space<vmem>>)
        tpu.yield
      }) : () -> ()
      %get3A = arith.constant 0 : index
      %get3A_36 = tpu.vector_load %arg16[%get3A] {strides = array<i32>} : memref<16xf32, #tpu.memory_space<vmem>>, vector<16xf32>,
      %mul3A_37 = arith.mulf %get3A_36, %get3A_36 : vector<16xf32>
      %mul3A_38 = arith.constant 1.000000e+03 : f32
      %mul3A_39 = vector.broadcast %mul3A_38 : f32 to vector<16xf32>
      %mul3A_40 = arith.mulf %mul3A_37, %mul3A_39 : vector<16xf32>
      %swap3A = arith.constant 0 : index
      %swap3A_41 = tpu.vector_load %arg16[%swap3A] {strides = array<i32>} : memref<16xf32, #tpu.memory_space<vmem>>, vector<16xf32>,
      tpu.vector_store %arg16[%swap3A], %mul3A_40 {strides = array<i32>} : memref<16xf32, #tpu.memory_space<vmem>>, vector<16xf32>,
      "tpu.region"() ({
        %run_scoped3A = tpu.sem_alloc : memref<!tpu.dma_semaphore, #tpu.memory_space<semaphore_mem>>
        tpu.enqueue_dma source(%arg16 : memref<16xf32, #tpu.memory_space<vmem>>) target(%arg8 : memref<16xf32, #tpu.memory_space<hbm>>) target_semaphore(%run_scoped3A : memref<!tpu.dma_semaphore, #tpu.memory_space<semaphore_mem>>)
        tpu.wait_dma2 semaphore(%run_scoped3A : memref<!tpu.dma_semaphore, #tpu.memory_space<semaphore_mem>>) src(%arg16 : memref<16xf32, #tpu.memory_space<vmem>>) dst(%arg8 : memref<16xf32, #tpu.memory_space<hbm>>)
        tpu.yield
      }) : () -> ()
    } else {
    }
    %dma_wait3A = arith.constant 0 : i32
    %dma_wait3A_15 = arith.constant 0 : i32
    %dma_wait3A_16 = tpu.memref_slice %arg2[%dma_wait3A, %dma_wait3A_15] : memref<25000x16xf32, #tpu.memory_space<hbm>> -> memref<25000x16xf32, #tpu.memory_space<hbm>>
    tpu.wait_indirect_dma semaphore(%arg17 : memref<!tpu.dma_semaphore, #tpu.memory_space<semaphore_mem>>) src(%dma_wait3A_16 : memref<25000x16xf32, #tpu.memory_space<hbm>>) dst(%arg12 : memref<2048x16xf32, #tpu.memory_space<vmem>>)
    %scan3A_17 = arith.constant 0 : i32
    %scan3A_18 = arith.constant 0 : i32
    %scan3A_19 = arith.constant 32 : i32
    %scan3A_20 = arith.addi %scan3A_18, %scan3A_19 : i32
    %scan3A_21 = arith.constant 1 : i32
    scf.for %scan3A_36 = %scan3A_18 to %scan3A_20 step %scan3A_21  : i32 {
      %mul3A_37 = arith.constant 16 : i32
      %mul3A_38 = arith.muli %scan3A_36, %mul3A_37 : i32
      %add3A_39 = vector.broadcast %mul3A_38 : i32 to vector<16xi32>
      %add3A_40 = arith.addi %add3A_39, %iota3A : vector<16xi32>
      %gather3A = tpu.vector_load_idx %arg9[%add3A_40] : memref<512xi32, #tpu.memory_space<vmem>>[vector<16xi32>], vector<16xi32>,
      %and3A = arith.constant 15 : i32
      %and3A_41 = vector.broadcast %and3A : i32 to vector<16xi32>
      %and3A_42 = arith.andi %gather3A, %and3A_41 : vector<16xi32>
      %shift_right_logical3A = arith.constant 3 : i32
      %shift_right_logical3A_43 = arith.shrui %scan3A_36, %shift_right_logical3A : i32
      %mul3A_44 = arith.constant 512 : i32
      %mul3A_45 = arith.muli %shift_right_logical3A_43, %mul3A_44 : i32
      %and3A_46 = arith.constant 7 : i32
      %and3A_47 = arith.andi %scan3A_36, %and3A_46 : i32
      %mul3A_48 = arith.constant 16 : i32
      %mul3A_49 = arith.muli %and3A_47, %mul3A_48 : i32
      %add3A_50 = arith.addi %mul3A_45, %mul3A_49 : i32
      %add3A_51 = vector.broadcast %add3A_50 : i32 to vector<16xi32>
      %add3A_52 = arith.addi %add3A_51, %iota3A : vector<16xi32>
      %add3A_53 = arith.constant 0 : i32
      %add3A_54 = vector.broadcast %add3A_53 : i32 to vector<16xi32>
      %add3A_55 = arith.addi %add3A_54, %add3A_40 : vector<16xi32>
      %gather3A_56 = tpu.vector_load_idx %arg12[%add3A_55, %and3A_42] : memref<2048x16xf32, #tpu.memory_space<vmem>>[vector<16xi32>, vector<16xi32>], vector<16xf32>,
      %add3A_57 = arith.constant 0 : i32
      %add3A_58 = vector.broadcast %add3A_57 : i32 to vector<16xi32>
      %add3A_59 = arith.addi %add3A_52, %add3A_58 : vector<16xi32>
      tpu.vector_store_idx %arg14[%add3A_59], %gather3A_56 : memref<2048xf32, #tpu.memory_space<vmem>>[vector<16xi32>], vector<16xf32>,
      %add3A_60 = arith.constant 512 : i32
      %add3A_61 = vector.broadcast %add3A_60 : i32 to vector<16xi32>
      %add3A_62 = arith.addi %add3A_61, %add3A_40 : vector<16xi32>
      %gather3A_63 = tpu.vector_load_idx %arg12[%add3A_62, %and3A_42] : memref<2048x16xf32, #tpu.memory_space<vmem>>[vector<16xi32>, vector<16xi32>], vector<16xf32>,
      %add3A_64 = arith.constant 128 : i32
      %add3A_65 = vector.broadcast %add3A_64 : i32 to vector<16xi32>
      %add3A_66 = arith.addi %add3A_52, %add3A_65 : vector<16xi32>
      tpu.vector_store_idx %arg14[%add3A_66], %gather3A_63 : memref<2048xf32, #tpu.memory_space<vmem>>[vector<16xi32>], vector<16xf32>,
      %add3A_67 = arith.constant 1024 : i32
      %add3A_68 = vector.broadcast %add3A_67 : i32 to vector<16xi32>
      %add3A_69 = arith.addi %add3A_68, %add3A_40 : vector<16xi32>
      %gather3A_70 = tpu.vector_load_idx %arg12[%add3A_69, %and3A_42] : memref<2048x16xf32, #tpu.memory_space<vmem>>[vector<16xi32>, vector<16xi32>], vector<16xf32>,
      %add3A_71 = arith.constant 256 : i32
      %add3A_72 = vector.broadcast %add3A_71 : i32 to vector<16xi32>
      %add3A_73 = arith.addi %add3A_52, %add3A_72 : vector<16xi32>
      tpu.vector_store_idx %arg14[%add3A_73], %gather3A_70 : memref<2048xf32, #tpu.memory_space<vmem>>[vector<16xi32>], vector<16xf32>,
      %add3A_74 = arith.constant 1536 : i32
      %add3A_75 = vector.broadcast %add3A_74 : i32 to vector<16xi32>
      %add3A_76 = arith.addi %add3A_75, %add3A_40 : vector<16xi32>
      %gather3A_77 = tpu.vector_load_idx %arg12[%add3A_76, %and3A_42] : memref<2048x16xf32, #tpu.memory_space<vmem>>[vector<16xi32>, vector<16xi32>], vector<16xf32>,
      %add3A_78 = arith.constant 384 : i32
      %add3A_79 = vector.broadcast %add3A_78 : i32 to vector<16xi32>
      %add3A_80 = arith.addi %add3A_52, %add3A_79 : vector<16xi32>
      tpu.vector_store_idx %arg14[%add3A_80], %gather3A_77 : memref<2048xf32, #tpu.memory_space<vmem>>[vector<16xi32>], vector<16xf32>,
    }
    %scan3A_22 = arith.constant 32 : i32
    %mul3A_23 = arith.constant 4 : i32
    %mul3A_24 = arith.muli %mul3A_2, %mul3A_23 : i32
    "tpu.region"() ({
      %run_scoped3A = tpu.sem_alloc : memref<!tpu.dma_semaphore, #tpu.memory_space<semaphore_mem>>
      %dma_start3A_36 = tpu.memref_slice %arg6[%mul3A_24] : memref<65536xf32, #tpu.memory_space<hbm>> -> memref<2048xf32, #tpu.memory_space<hbm>>
      %dma_start3A_37 = tpu.memref_slice %arg6[%mul3A_24] : memref<65536xf32, #tpu.memory_space<hbm>> -> memref<2048xf32, #tpu.memory_space<hbm>>
      tpu.enqueue_dma source(%arg14 : memref<2048xf32, #tpu.memory_space<vmem>>) target(%dma_start3A_37 : memref<2048xf32, #tpu.memory_space<hbm>>) target_semaphore(%run_scoped3A : memref<!tpu.dma_semaphore, #tpu.memory_space<semaphore_mem>>)
      %dma_wait3A_38 = tpu.memref_slice %arg6[%mul3A_24] : memref<65536xf32, #tpu.memory_space<hbm>> -> memref<2048xf32, #tpu.memory_space<hbm>>
      %dma_wait3A_39 = tpu.memref_slice %arg6[%mul3A_24] : memref<65536xf32, #tpu.memory_space<hbm>> -> memref<2048xf32, #tpu.memory_space<hbm>>
      tpu.wait_dma2 semaphore(%run_scoped3A : memref<!tpu.dma_semaphore, #tpu.memory_space<semaphore_mem>>) src(%arg14 : memref<2048xf32, #tpu.memory_space<vmem>>) dst(%dma_wait3A_39 : memref<2048xf32, #tpu.memory_space<hbm>>)
      tpu.yield
    }) : () -> ()
    %dma_wait3A_25 = arith.constant 0 : i32
    %dma_wait3A_26 = arith.constant 0 : i32
    %dma_wait3A_27 = tpu.memref_slice %arg3[%dma_wait3A_25, %dma_wait3A_26] : memref<18750x16xf32, #tpu.memory_space<hbm>> -> memref<18750x16xf32, #tpu.memory_space<hbm>>
    tpu.wait_indirect_dma semaphore(%arg18 : memref<!tpu.dma_semaphore, #tpu.memory_space<semaphore_mem>>) src(%dma_wait3A_27 : memref<18750x16xf32, #tpu.memory_space<hbm>>) dst(%arg13 : memref<1536x16xf32, #tpu.memory_space<vmem>>)
    %scan3A_28 = arith.constant 0 : i32
    %scan3A_29 = arith.constant 0 : i32
    %scan3A_30 = arith.constant 32 : i32
    %scan3A_31 = arith.addi %scan3A_29, %scan3A_30 : i32
    %scan3A_32 = arith.constant 1 : i32
    scf.for %scan3A_36 = %scan3A_29 to %scan3A_31 step %scan3A_32  : i32 {
      %mul3A_37 = arith.constant 16 : i32
      %mul3A_38 = arith.muli %scan3A_36, %mul3A_37 : i32
      %add3A_39 = vector.broadcast %mul3A_38 : i32 to vector<16xi32>
      %add3A_40 = arith.addi %add3A_39, %iota3A : vector<16xi32>
      %gather3A = tpu.vector_load_idx %arg9[%add3A_40] : memref<512xi32, #tpu.memory_space<vmem>>[vector<16xi32>], vector<16xi32>,
      %and3A = arith.constant 15 : i32
      %and3A_41 = vector.broadcast %and3A : i32 to vector<16xi32>
      %and3A_42 = arith.andi %gather3A, %and3A_41 : vector<16xi32>
      %shift_right_logical3A = arith.constant 3 : i32
      %shift_right_logical3A_43 = arith.shrui %scan3A_36, %shift_right_logical3A : i32
      %mul3A_44 = arith.constant 512 : i32
      %mul3A_45 = arith.muli %shift_right_logical3A_43, %mul3A_44 : i32
      %and3A_46 = arith.constant 7 : i32
      %and3A_47 = arith.andi %scan3A_36, %and3A_46 : i32
      %mul3A_48 = arith.constant 16 : i32
      %mul3A_49 = arith.muli %and3A_47, %mul3A_48 : i32
      %add3A_50 = arith.addi %mul3A_45, %mul3A_49 : i32
      %add3A_51 = vector.broadcast %add3A_50 : i32 to vector<16xi32>
      %add3A_52 = arith.addi %add3A_51, %iota3A : vector<16xi32>
      %add3A_53 = arith.constant 0 : i32
      %add3A_54 = vector.broadcast %add3A_53 : i32 to vector<16xi32>
      %add3A_55 = arith.addi %add3A_54, %add3A_40 : vector<16xi32>
      %gather3A_56 = tpu.vector_load_idx %arg13[%add3A_55, %and3A_42] : memref<1536x16xf32, #tpu.memory_space<vmem>>[vector<16xi32>, vector<16xi32>], vector<16xf32>,
      %add3A_57 = arith.constant 0 : i32
      %add3A_58 = vector.broadcast %add3A_57 : i32 to vector<16xi32>
      %add3A_59 = arith.addi %add3A_52, %add3A_58 : vector<16xi32>
      tpu.vector_store_idx %arg15[%add3A_59], %gather3A_56 : memref<2048xf32, #tpu.memory_space<vmem>>[vector<16xi32>], vector<16xf32>,
      %add3A_60 = arith.constant 512 : i32
      %add3A_61 = vector.broadcast %add3A_60 : i32 to vector<16xi32>
      %add3A_62 = arith.addi %add3A_61, %add3A_40 : vector<16xi32>
      %gather3A_63 = tpu.vector_load_idx %arg13[%add3A_62, %and3A_42] : memref<1536x16xf32, #tpu.memory_space<vmem>>[vector<16xi32>, vector<16xi32>], vector<16xf32>,
      %add3A_64 = arith.constant 128 : i32
      %add3A_65 = vector.broadcast %add3A_64 : i32 to vector<16xi32>
      %add3A_66 = arith.addi %add3A_52, %add3A_65 : vector<16xi32>
      tpu.vector_store_idx %arg15[%add3A_66], %gather3A_63 : memref<2048xf32, #tpu.memory_space<vmem>>[vector<16xi32>], vector<16xf32>,
      %add3A_67 = arith.constant 1024 : i32
      %add3A_68 = vector.broadcast %add3A_67 : i32 to vector<16xi32>
      %add3A_69 = arith.addi %add3A_68, %add3A_40 : vector<16xi32>
      %gather3A_70 = tpu.vector_load_idx %arg13[%add3A_69, %and3A_42] : memref<1536x16xf32, #tpu.memory_space<vmem>>[vector<16xi32>, vector<16xi32>], vector<16xf32>,
      %add3A_71 = arith.constant 256 : i32
      %add3A_72 = vector.broadcast %add3A_71 : i32 to vector<16xi32>
      %add3A_73 = arith.addi %add3A_52, %add3A_72 : vector<16xi32>
      tpu.vector_store_idx %arg15[%add3A_73], %gather3A_70 : memref<2048xf32, #tpu.memory_space<vmem>>[vector<16xi32>], vector<16xf32>,
    }
    %scan3A_33 = arith.constant 32 : i32
    %mul3A_34 = arith.constant 4 : i32
    %mul3A_35 = arith.muli %mul3A_2, %mul3A_34 : i32
    "tpu.region"() ({
      %run_scoped3A = tpu.sem_alloc : memref<!tpu.dma_semaphore, #tpu.memory_space<semaphore_mem>>
      %dma_start3A_36 = tpu.memref_slice %arg7[%mul3A_35] : memref<65536xf32, #tpu.memory_space<hbm>> -> memref<2048xf32, #tpu.memory_space<hbm>>
      %dma_start3A_37 = tpu.memref_slice %arg7[%mul3A_35] : memref<65536xf32, #tpu.memory_space<hbm>> -> memref<2048xf32, #tpu.memory_space<hbm>>
      tpu.enqueue_dma source(%arg15 : memref<2048xf32, #tpu.memory_space<vmem>>) target(%dma_start3A_37 : memref<2048xf32, #tpu.memory_space<hbm>>) target_semaphore(%run_scoped3A : memref<!tpu.dma_semaphore, #tpu.memory_space<semaphore_mem>>)
      %dma_wait3A_38 = tpu.memref_slice %arg7[%mul3A_35] : memref<65536xf32, #tpu.memory_space<hbm>> -> memref<2048xf32, #tpu.memory_space<hbm>>
      %dma_wait3A_39 = tpu.memref_slice %arg7[%mul3A_35] : memref<65536xf32, #tpu.memory_space<hbm>> -> memref<2048xf32, #tpu.memory_space<hbm>>
      tpu.wait_dma2 semaphore(%run_scoped3A : memref<!tpu.dma_semaphore, #tpu.memory_space<semaphore_mem>>) src(%arg15 : memref<2048xf32, #tpu.memory_space<vmem>>) dst(%dma_wait3A_39 : memref<2048xf32, #tpu.memory_space<hbm>>)
      tpu.yield
    }) : () -> ()
    return
  }
}

</mosaic_0001>

<sc_bundles>
// kernel: kernel.3.cloned.1.call-start
scs
__scs_entry_jumppad:
0x0: {  	(pc) =	sbr.rel $0x88, $3  }
0x1: {  	(tag) =	ssettag $0x0;
	lr =	simm.s32 $0x1  }
0x2: {  	[smem:$0x3F9D] =	sst lr;
	_ =	strace $0xD0000000  }
0x3: {  	_ = 	snop  }
0x4: {  	_ = 	snop  }
0x5: {  	_ = 	snop  }
0x6: {  	_ = 	snop  }
0x7: {  	_ = 	snop  }
__scs_overlays_trampoline_lowered:
0x8: {  	[smem:$0x3FAC] =	sst s0  }
0x9: {  	[smem:$0x3FAD] =	sst s1  }
0xa: {  	[smem:$0x3FAE] =	sst s2  }
0xb: {  	[smem:$0x3FAF] =	sst s3  }
0xc: {  	[smem:$0x3FB0] =	sst s4  }
0xd: {  	[smem:$0x3FB1] =	sst s5  }
0xe: {  	[smem:$0x3FB2] =	sst s6  }
0xf: {  	[smem:$0x3FB3] =	sst s7  }
0x10: {  	[smem:$0x3FB4] =	sst s8  }
0x11: {  	[smem:$0x3FB5] =	sst s9;
	s0 =	simm.s32 @!p0 $0x0  }
0x12: {  	s1 =	sld [smem:$0x3F9B];
	s0 =	simm.s32 @p0 $0x1  }
0x13: {  	[smem:$0x3FB6] =	sst s0;
	s0 =	simm.s32 @!p1 $0x0  }
0x14: {  	s2 =	sld [smem:$0x3F9A];
	s0 =	simm.s32 @p1 $0x1  }
0x15: {  	[smem:$0x3FB7] =	sst s0;
	s0 =	simm.s32 @!p2 $0x0  }
0x16: {  	s3 =	sld [smem:$0x3FDB];
	s0 =	simm.s32 @p2 $0x1  }
0x17: {  	s4 =	simm.s32 $0x1BF5;
	[smem:$0x3FB9] =	sst s0  }
0x18: {  	s0 =	sld [smem:$0x3F9C];
	_ =	swait.ge [sflag:s4], $0x0  }
0x19: {  	s7 =	sld [smem:$0x3F9D]  }
0x1a: {  	s8 =	sadd.s32 $0xFFFFE003, lr  }
0x1b: {  	s9 =	sadd.s32 $0xFFFFFEF7, lr;
	s5 =	simm.s32 $0xFFFFFFFF;
	p2 =	slt.u32 s8, $0xFFFFF086  }
0x1c: {  	p1 =	slt.u32 s9, $0xF7A;
	s5 =	simm.s32 @!p2 $0x0  }
0x1d: {  	s5 =	simm.s32 @p1 $0x1;
	p0 =	seq.s32 s7, s2  }
0x1e: {  	s7 =	smul.u32 @!p0 $0xF7A, s2;
	p2 =	seq.s32 @!p0 s5, $0x0  }
0x1f: {  	s9 =	smul.u32 $0xF7A, s1;
	s8 =	simm.s32 @!p0 $0x1BF5;
	p2 =	por !p2, p0  }
0x20: {  	[sflag:s8] =	ssyncset.s32 @!p0 $0xFFFFF086;
	s6 =	sadd.s32 @!p0 s3, s7;
	s7 =	simm.s32 @!p0 $0x108  }
0x21: {  	s3 =	sadd.s32 s3, s9;
	s6 =	sadd.s32 @!p0 $0x88, s6;
	s7 =	simm.s32 @p2 $0x1082  }
0x22: {  	[simem:s7], [sflag:s8] =	dma.local @!p0 [hbm:s6], $0xF7A  }
0x23: {  	s9 =	sor.u32 $0xD0000000, s2;
	s6 =	simm.s32 $0x108;
	_ =	swait.ge @!p0 [sflag:s8], $0x0  }
0x24: {  	s3 =	sadd.s32 $0x88, s3;
	s6 =	simm.s32 @!p1 $0x1082;
	[sflag:s4] =	ssyncset.s32 $0xFFFFF086  }
0x25: {  	[simem:s6], [sflag:s4] =	dma.local [hbm:s3], $0xF7A  }
0x26: {  	[smem:$0x3F9D] =	sst s1;
	(tag) =	ssettag s2;
	_ =	strace s9  }
0x27: {  	s1 =	sld [smem:$0x3FAD]  }
0x28: {  	s2 =	sld [smem:$0x3FAE]  }
0x29: {  	s4 =	sld [smem:$0x3FB0]  }
0x2a: {  	p0 =	seq.s32 s5, $0x0;
	s5 =	sld [smem:$0x3FB1]  }
0x2b: {  	s6 =	sld [smem:$0x3FB2]  }
0x2c: {  	s7 =	sld [smem:$0x3FB3]  }
0x2d: {  	s3 =	simm.s32 $0x108;
	s8 =	sld [smem:$0x3FB4]  }
0x2e: {  	s3 =	simm.s32 @!p0 $0x1082;
	s9 =	sld [smem:$0x3FB5]  }
0x2f: {  	lr =	sadd.s32 s0, s3;
	s0 =	sld [smem:$0x3FAC]  }
0x30: {  	s3 =	sld [smem:$0x3FAF]  }
0x31: {  	[smem:$0x3FB8] =	sst s10  }
0x32: {  	s10 =	sld [smem:$0x3FB6];
	_ =	sdelay $0x3  }
0x33: {  	p0 =	seq.s32 s10, $0x1;
	s10 =	sld [smem:$0x3FB8];
	_ =	sdelay $0x3  }
0x34: {  	[smem:$0x3FB8] =	sst s10  }
0x35: {  	s10 =	sld [smem:$0x3FB7];
	_ =	sdelay $0x3  }
0x36: {  	p1 =	seq.s32 s10, $0x1;
	s10 =	sld [smem:$0x3FB8];
	_ =	sdelay $0x3  }
0x37: {  	[smem:$0x3FB8] =	sst s10  }
0x38: {  	s10 =	sld [smem:$0x3FB9]  }
0x39: {  	_ = 	snop;
	(pc) =	sbr.ind lr, $3  }
0x3a: {  	_ = 	snop  }
0x3b: {  	_ = 	snop  }
0x3c: {  	p2 =	seq.s32 s10, $0x1;
	s10 =	sld [smem:$0x3FB8]  }
0x3d: {  	_ =	shalt  }
0x3e: {  	_ =	shalt  }
0x3f: {  	_ =	shalt  }
0x40: {  	_ =	shalt  }
0x41: {  	_ =	shalt  }
0x42: {  	_ =	shalt  }
0x43: {  	_ =	shalt  }
0x44: {  	_ =	shalt  }
0x45: {  	_ =	shalt  }
0x46: {  	_ =	shalt  }
0x47: {  	_ =	shalt  }
0x48: {  	_ =	shalt  }
0x49: {  	_ =	shalt  }
0x4a: {  	_ =	shalt  }
0x4b: {  	_ =	shalt  }
0x4c: {  	_ =	shalt  }
0x4d: {  	_ =	shalt  }
0x4e: {  	_ =	shalt  }
0x4f: {  	_ =	shalt  }
0x50: {  	_ =	shalt  }
0x51: {  	_ =	shalt  }
0x52: {  	_ =	shalt  }
0x53: {  	_ =	shalt  }
0x54: {  	_ =	shalt  }
0x55: {  	_ =	shalt  }
0x56: {  	_ =	shalt  }
0x57: {  	_ =	shalt  }
0x58: {  	_ =	shalt  }
0x59: {  	_ =	shalt  }
0x5a: {  	_ =	shalt  }
0x5b: {  	_ =	shalt  }
0x5c: {  	_ =	shalt  }
0x5d: {  	_ =	shalt  }
0x5e: {  	_ =	shalt  }
0x5f: {  	_ =	shalt  }
0x60: {  	_ =	shalt  }
0x61: {  	_ =	shalt  }
0x62: {  	_ =	shalt  }
0x63: {  	_ =	shalt  }
0x64: {  	_ =	shalt  }
0x65: {  	_ =	shalt  }
0x66: {  	_ =	shalt  }
0x67: {  	_ =	shalt  }
0x68: {  	_ =	shalt  }
0x69: {  	_ =	shalt  }
0x6a: {  	_ =	shalt  }
0x6b: {  	_ =	shalt  }
0x6c: {  	_ =	shalt  }
0x6d: {  	_ =	shalt  }
0x6e: {  	_ =	shalt  }
0x6f: {  	_ =	shalt  }
0x70: {  	_ =	shalt  }
0x71: {  	_ =	shalt  }
0x72: {  	_ =	shalt  }
0x73: {  	_ =	shalt  }
0x74: {  	_ =	shalt  }
0x75: {  	_ =	shalt  }
0x76: {  	_ =	shalt  }
0x77: {  	_ =	shalt  }
0x78: {  	_ =	shalt  }
0x79: {  	_ =	shalt  }
0x7a: {  	_ =	shalt  }
0x7b: {  	_ =	shalt  }
0x7c: {  	_ =	shalt  }
0x7d: {  	_ =	shalt  }
0x7e: {  	_ =	shalt  }
0x7f: {  	_ =	shalt  }
0x80: {  	_ =	shalt  }
0x81: {  	_ =	shalt  }
0x82: {  	_ =	shalt  }
0x83: {  	_ =	shalt  }
0x84: {  	_ =	shalt  }
0x85: {  	_ =	shalt  }
0x86: {  	_ =	shalt  }
0x87: {  	_ =	shalt  }
.Lfunc_end0:
.L_simem_size_0:
called_computation_lowered:
.L_overlay_start_0:
0x88: {  	s2 =	sld [smem:$0x3FD9]  }
0x89: {  	s3 =	sld [smem:$0x3FFE];
	_ =	sdelay $0x1  }
0x8a: {  	s1 =	srdreg.scid  }
0x8b: {  	s0 =	sand.u32 $0x1, s1  }
0x8c: {  	s14 =	sshll.u32 s0, $0xA;
	s2 =	sadd.s32 s3, s2  }
0x8d: {  	s2 =	sadd.s32 s2, s14  }
0x8e: {  	[smem:$0x3FC4] =	sst s2  }
0x8f: {  	_ = 	snop  }
0x90: {  	s2 =	sld [smem:$0x3FD0];
	_ =	sdelay $0x2  }
0x91: {  	s4 =	simm.s32 $0xA;
	s5 =	simm.s32 $0x10;
	s15 =	sld [smem:$0x3FC6]  }
0x92: {  	[smem:s5], [sflag:s4] =	dma.local [hbm:s2], $0x1  }
0x93: {  	_ =	swait.eq [sflag:s4], $0x1  }
0x94: {  	s16 =	sld [smem:$0x10]  }
0x95: {  	s17 =	sld [smem:$0x11];
	[sflag:s4] =	ssyncset.done $0x0  }
0x96: {  	s6 =	sld [smem:$0x12];
	[sflag:s4] =	ssyncadd.s32 $0xFFFFFFFF  }
0x97: {  	s18 =	sld [smem:$0x15];
	(tm) =	ssettm $0x1  }
0x98: {  	s7 =	sld [smem:$0x3FFB];
	_ =	sdelay $0x3  }
0x99: {  	_ =	strace s7  }
0x9a: {  	s7 =	sld [smem:$0x3FFC];
	_ =	sdelay $0x3  }
0x9b: {  	_ =	strace s7  }
0x9c: {  	s7 =	sld [smem:$0x3FFD];
	_ =	sdelay $0x3  }
0x9d: {  	_ =	strace s7  }
0x9e: {  	_ =	strace $0x8FFFFFFF  }
0x9f: {  	s19 =	sld [smem:$0x3FDB];
	_ =	sdelay $0x1  }
0xa0: {  	s8 =	simm.s32 $_scs_section_size  }
0xa1: {  	s9 =	simm.s32 $_size__tile_overlayer_lowered;
	s10 =	simm.s32 $_tile_overlayer_lowered  }
0xa2: {  	s22 =	simm.s32 $0x1BFF;
	s21 =	sshll.u32 s10, $0x1;
	s7 =	sadd.s32 s8, s19  }
0xa3: {  	s11 =	simm.s32 $0x0;
	s20 =	sshll.u32 s9, $0x1;
	s9 =	sadd.s32 s21, s7  }
0xa4: {  	[timem:s11], [sflag:s22] =	dma.local [hbm:s9], s20  }
0xa5: {  	_ =	swait.ge [sflag:s22], s20  }
0xa6: {  	s8 =	ssub.s32 $0x0, s20;
	[sflag:s22] =	ssyncset.done $0x0  }
0xa7: {  	[sflag:s22] =	ssyncadd.s32 s8;
	_ =	sdelay $0x1  }
0xa8: {  	s23 =	simm.s32 $0x1B8B  }
0xa9: {  	_ =	swait.ge [sflag:s23], $0x1  }
0xaa: {  	[sflag:s23] =	ssyncset.done $0x0  }
0xab: {  	s25 =	simm.s32 $0x1B8E;
	s24 =	sld [smem:$0x3FFE];
	[sflag:s23] =	ssyncadd.s32 $0xFFFFFFFF  }
0xac: {  	s26 =	simm.s32 $execute0_lowered;
	[smem:$0x3FD2] =	sst s25  }
0xad: {  	s9 =	sshll.u32 s26, $0x1;
	_ =	strace $0x80000046;
	[dreg:$0x1] =	wrdreg $0xFFFFFFFF  }
0xae: {  	s28 =	simm.s32 $_size_execute0_lowered;
	s7 =	sadd.s32 s7, s9;
	[dreg:$0x0] =	wrdreg $0x0  }
0xaf: {  	s9 =	sshll.u32 s28, $0x1;
	[dreg:$0x2] =	wrdreg s7  }
0xb0: {  	[dreg:$0x3] =	wrdreg s9  }
0xb1: {  	[dreg:$0x4] =	wrdreg $0xC0  }
0xb2: {  	_ =	task [dreg:s11], $0x5FFFF  }
0xb3: {  	[dreg:$0x1] =	wrdreg $0xFFFFFFFF  }
0xb4: {  	[dreg:$0x0] =	wrdreg $0x60  }
0xb5: {  	[dreg:$0x2] =	wrdreg s24  }
0xb6: {  	[dreg:$0x3] =	wrdreg s18  }
0xb7: {  	[dreg:$0x4] =	wrdreg s15  }
0xb8: {  	[dreg:$0x5] =	wrdreg s16  }
0xb9: {  	[dreg:$0x6] =	wrdreg s17  }
0xba: {  	[dreg:$0x7] =	wrdreg s6  }
0xbb: {  	[dreg:$0x8] =	wrdreg $0x9  }
0xbc: {  	_ =	task.clear_ibuf [dreg:s11], $0x9FFFF;
	_ =	strace $0x90000046  }
0xbd: {  	s29 =	simm.s32 $0x9;
	_ =	strace $0x80000048  }
0xbe: {  	_ =	swait.ge [sflag:s29], $0x1  }
0xbf: {  	[sflag:s29] =	ssyncadd.s32 $0xFFFFFFFF  }
0xc0: {  	_ =	strace $0x90000048  }
0xc1: {  	_ =	sfence  }
0xc2: {  	s30 =	sld [smem:$0x0];
	_ =	sdelay $0x2  }
0xc3: {  	s31 =	sshll.u32 s1, $0xD;
	s1 =	sshrl.u32 s1, $0x2  }
0xc4: {  	s3 =	sand.u32 $0x4000, s31;
	s1 =	sadd.s32 s1, s30  }
0xc5: {  	s0 =	sor.u32 s3, s0;
	s1 =	sshll.u32 s1, $0x11  }
0xc6: {  	s0 =	sor.u32 s1, s0  }
0xc7: {  	s0 =	sadd.s32 $0x8F2B, s0  }
0xc8: {  	[sflag:s0] =	ssyncadd.remote.s32 $0x1  }
0xc9: {  	_ =	sfence.sel $0xFFFF  }
0xca: {  	[dreg:$0x0] =	wrdreg $0xFFFFFFFF;
	(pc) =	sbr.abs _section_cstart, $3  }
0xcb: {  	[dreg:$0x1] =	wrdreg $0xFFFFFFFF  }
0xcc: {  	_ =	task.clear_ibuf [dreg:s11], $0x2FFFF;
	_ =	strace $0x9FFFFFFF  }
0xcd: {  	(tm) =	ssettm $0x7FFFFFFF  }
tec
execute0_lowered:
.L_overlay_start_1:
0x0: {  	(tag) =	ssettag $0x1  }
0x1: {  	s6 =	rddreg [dreg:$0x0]  }
0x2: {  	s1 =	rddreg [dreg:$0x1]  }
0x3: {  	s7 =	rddreg [dreg:$0x2]  }
0x4: {  	s8 =	rddreg [dreg:$0x3]  }
0x5: {  	s9 =	rddreg [dreg:$0x4]  }
0x6: {  	s2 =	rddreg [dreg:$0x5]  }
0x7: {  	s0 =	rddreg [dreg:$0x6];
	s4 =	simm.s32 $0x0;
	s10 =	srdreg.scid  }
0x8: {  	s3 =	stileid.u32;
	s15 =	simm.s32 $0x1000;
	s16 =	simm.s32 $0x600  }
0x9: {  	s17 =	simm.s32 $0x9000;
	s18 =	simm.s32 $0x1;
	s19 =	simm.s32 $0xF000  }
0xa: {  	s20 =	simm.s32 $0x2;
	s21 =	simm.s32 $0xF800;
	s22 =	simm.s32 $0x0  }
0xb: {  	[smem:$0x7FF] =	sst s4;
	s5 =	sadd.s32 $0xA00, s6;
	s10 =	sand.u32 $0x1, s10  }
0xc: {  	s11 =	sshll.u32 s3, $0x1;
	s6 =	sadd.s32 $0xCE00, s6;
	s12 =	ssub.s32 $0x2, s10  }
0xd: {  	v0 =	vlaneseq.u32;
	_ =	strace $0x80000047;
	s14 =	sor.u32 s10, s11;
	s31 =	sshrl.u32 s12, $0x1  }
0xe: {  	v7 =	vmul.u32 $0x10, v0;
	v1 =	vor.u32 $0xFFFFFFF8, v0;
	v2 =	vor.u32 $0x200, v0;
	s11 =	sshll.u32 s14, $0x6;
	s13 =	sshll.u32 s14, $0x8;
	p0 =	sne.s32 s14, $0x0  }
0xf: {  	v3 =	vor.u32 $0x400, v0;
	v4 =	vor.u32 $0x600, v0;
	v8 =	vor.u32 $0xFFFFFE78, v0;
	s14 =	simm.s32 $0x800;
	s10 =	ssub.s32 s12, s31;
	s7 =	sadd.s32 s7, s11  }
0x10: {  	v9 =	vor.u32 $0x80, v0;
	v10 =	vor.u32 $0x100, v0;
	v11 =	vor.u32 $0x180, v0;
	s8 =	sadd.s32 s8, s13;
	s9 =	sadd.s32 s9, s13;
	s11 =	simm.s32 $0x3  }
0x11: {  	v5 =	vor.u32 $0x6000, v7;
	v6 =	vor.u32 $0x4000, v7;
	v7 =	vor.u32 $0x2000, v7;
	s12 =	simm.s32 $0x200;
	s13 =	simm.s32 $0xA00;
	s10 =	smax.u32 s10, $0x1  }
.LBB2_1:
0x12: {  	v12 =	vor.u32 s4, v0  }
0x13: {  	v12 =	vand.u32 v1, v12  }
0x14: {  	[tilespmem:s4], [sflag:$0x3] =	stream.linear.gather [hbm4b:s7+s4], $0x200, $0x38;
	[tilespmem:$0x10010] =	vst v63  }
0x15: {  	_ =	swait.ge [sflag:s11], $0x200  }
0x16: {  	[sflag:s11] =	ssyncset.done $0x0  }
0x17: {  	[sflag:s11] =	ssyncadd.s32 $0xFFFFFE00  }
0x18: {  	v14 =	vld.idx.msk [tilespmem:v12+s4+$0x0], $0xffff;
	_ =	sdelay $0x1  }
0x19: {  	v16 =	vor.u32 s4, v2  }
0x1a: {  	v13 =	vor.u32 s4, v3  }
0x1b: {  	v15 =	vor.u32 s4, v4  }
0x1c: {  	v17 =	vshrl.u32 v14, $0x4  }
0x1d: {  	[tilespmem:v12+s12+$0x0] =	vst.idx.msk $0xffff, v17;
	v18 =	vadd.s32 $0x186A, v17  }
0x1e: {  	s23 =	simm.s32 $0x10;
	v14 =	vadd.s32 $0x30D4, v17;
	[tilespmem:v16+s12+$0x0] =	vst.idx.msk $0xffff, v18  }
0x1f: {  	v20 =	vor.u32 s23, v0;
	v19 =	vadd.s32 $0x493E, v17;
	[tilespmem:v13+s12+$0x0] =	vst.idx.msk $0xffff, v14  }
0x20: {  	[tilespmem:v15+s12+$0x0] =	vst.idx.msk $0xffff, v19;
	v15 =	vand.u32 v1, v20;
	_ =	sdelay $0x1  }
0x21: {  	[tilespmem:v12+s13+$0x0] =	vst.idx.msk $0xffff, v17  }
0x22: {  	s24 =	simm.s32 $0x20;
	v12 =	vmov v15;
	[tilespmem:v16+s13+$0x0] =	vst.idx.msk $0xffff, v18  }
.LBB2_2:
0x23: {  	p1 =	sne.s32 s24, $0x1F0;
	[tilespmem:v13+s13+$0x0] =	vst.idx.msk $0xffff, v14;
	s25 =	smov.u32 s24;
	s24 =	sadd.s32 $0x10, s24  }
0x24: {  	v14 =	vld.idx.msk [tilespmem:v15+s4+$0x0], $0xffff;
	_ =	sdelay $0x2  }
0x25: {  	v16 =	vor.u32 s23, v2  }
0x26: {  	v13 =	vor.u32 s23, v3  }
0x27: {  	v17 =	vor.u32 s23, v4;
	s23 =	smov.u32 s25  }
0x28: {  	v18 =	vshrl.u32 v14, $0x4  }
0x29: {  	v19 =	vadd.s32 $0x186A, v18;
	[tilespmem:v12+s12+$0x0] =	vst.idx.msk $0xffff, v18  }
.Ltmp0:
0x2a: {  	v15 =	vor.u32 s23, v0;
	v14 =	vadd.s32 $0x30D4, v18;
	[tilespmem:v16+s12+$0x0] =	vst.idx.msk $0xffff, v19;
	(pc) =	sbr.rel @p1 .LBB2_2-.Ltmp0, $4  }
0x2b: {  	v15 =	vand.u32 v1, v15;
	v20 =	vadd.s32 $0x493E, v18;
	[tilespmem:v13+s12+$0x0] =	vst.idx.msk $0xffff, v14  }
0x2c: {  	[tilespmem:v17+s12+$0x0] =	vst.idx.msk $0xffff, v20  }
0x2d: {  	[tilespmem:v12+s13+$0x0] =	vst.idx.msk $0xffff, v18;
	v12 =	vmov v15  }
0x2e: {  	[tilespmem:v16+s13+$0x0] =	vst.idx.msk $0xffff, v19  }
0x2f: {  	_ =	sdelay $0x3  }
0x30: {  	[tilespmem:v13+s13+$0x0] =	vst.idx.msk $0xffff, v14  }
0x31: {  	v13 =	vld.idx.msk [tilespmem:v15+s4+$0x0], $0xffff;
	_ =	sdelay $0x1  }
0x32: {  	v14 =	vor.u32 s23, v2  }
0x33: {  	v15 =	vor.u32 s23, v3  }
0x34: {  	v16 =	vor.u32 s23, v4  }
0x35: {  	v13 =	vshrl.u32 v13, $0x4  }
0x36: {  	[tilespmem:v12+s12+$0x0] =	vst.idx.msk $0xffff, v13;
	v17 =	vadd.s32 $0x186A, v13  }
0x37: {  	v18 =	vadd.s32 $0x30D4, v13;
	[tilespmem:v14+s12+$0x0] =	vst.idx.msk $0xffff, v17  }
0x38: {  	v19 =	vadd.s32 $0x493E, v13;
	[tilespmem:v15+s12+$0x0] =	vst.idx.msk $0xffff, v18  }
0x39: {  	[tilespmem:v16+s12+$0x0] =	vst.idx.msk $0xffff, v19  }
0x3a: {  	[tilespmem:v12+s13+$0x0] =	vst.idx.msk $0xffff, v13  }
0x3b: {  	[tilespmem:v14+s13+$0x0] =	vst.idx.msk $0xffff, v17  }
0x3c: {  	[tilespmem:v15+s13+$0x0] =	vst.idx.msk $0xffff, v18  }
0x3d: {  	[tilespmem:s15], [sflag:$0x1] =	stream.indirect.gather [hbm4b:s5+s14], $0x10, s12, s14, $0xb8;
	[tilespmem:$0x10010] =	vst v63  }
0x3e: {  	_ = 	snop  }
0x3f: {  	[tilespmem:s17], [sflag:$0x2] =	stream.indirect.gather [hbm4b:s6+s16], $0x10, s13, s16, $0xb8;
	[tilespmem:$0x10010] =	vst v63  }
0x40: {  	s24 =	simm.s32 @!p0 $0x10000;
	s25 =	simm.s32 @!p0 $0x3;
	s23 =	simm.s32 @!p0 $0x0  }
0x41: {  	[tilespmem:s24], [sflag:$0x3] =	stream.linear.gather @!p0 [hbm4b:s1+s23], $0x10, $0x38;
	[tilespmem:$0x10010] =	vst v63  }
0x42: {  	_ =	swait.ge @!p0 [sflag:s25], $0x10  }
0x43: {  	[sflag:s25] =	ssyncset.done @!p0 $0x0  }
0x44: {  	[sflag:s25] =	ssyncadd.s32 @!p0 $0xFFFFFFF0  }
0x45: {  	v12 =	vld @!p0 [tilespmem:$0x10000];
	_ =	sdelay $0x4  }
0x46: {  	v12 =	vmul.f32 @!p0 v12, v12;
	_ =	sdelay $0x1  }
0x47: {  	v12 =	vmul.f32 @!p0 $1.000000000e+03, v12;
	_ =	sdelay $0x1  }
0x48: {  	[tilespmem:$0x10000] =	vst @!p0 v12  }
0x49: {  	[hbm4b:s2+s23] =	stream.linear.scatter @!p0 [tilespmem:s24], [sflag:$0x3], $0x10, $0x38;
	[tilespmem:$0x10010] =	vst v63  }
0x4a: {  	s23 =	simm.s32 $0x0  }
0x4b: {  	_ =	swait.ge @!p0 [sflag:s25], $0x10;
	v12 =	vor.u32 s23, v0  }
0x4c: {  	[sflag:s25] =	ssyncset.done @!p0 $0x0;
	v13 =	vand.u32 v1, v12  }
0x4d: {  	[sflag:s25] =	ssyncadd.s32 @!p0 $0xFFFFFFF0  }
0x4e: {  	_ =	swait.ge [sflag:s18], $0x8000  }
0x4f: {  	[sflag:s18] =	ssyncset.done $0x0  }
0x50: {  	[sflag:s18] =	ssyncadd.s32 $0xFFFF8000  }
0x51: {  	v13 =	vld.idx.msk [tilespmem:v13+s4+$0x0], $0xffff;
	_ =	sdelay $0x4  }
0x52: {  	v12 =	vshll.u32 v12, $0x4;
	v14 =	vand.u32 $0x8, v13  }
0x53: {  	v13 =	vand.u32 $0x7, v13;
	v12 =	vor.u32 v12, v14  }
0x54: {  	v12 =	vor.u32 v13, v12;
	_ =	sdelay $0x1  }
0x55: {  	v15 =	vmov s23;
	s30 =	sand.u32 $0x600, s23;
	s31 =	sand.u32 $0x70, s23  }
0x56: {  	v15 =	vshll.u32 v15, $0x4;
	s26 =	sor.u32 s31, s30  }
0x57: {  	v16 =	vadd.s32 v7, v15;
	v17 =	vor.u32 s26, v0  }
0x58: {  	v17 =	vand.u32 v8, v17;
	v16 =	vor.u32 v16, v14;
	v12 =	vld.idx.msk [tilespmem:v12+s15+$0x0], $0xffff  }
0x59: {  	v16 =	vor.u32 v13, v16;
	_ =	sdelay $0x3  }
0x5a: {  	v63 =	vadd.s32 v6, v15;
	[tilespmem:v17+s19+$0x0] =	vst.idx.msk $0xffff, v12  }
0x5b: {  	v12 =	vor.u32 v63, v14;
	v17 =	vor.u32 s26, v9;
	v16 =	vld.idx.msk [tilespmem:v16+s15+$0x0], $0xffff  }
0x5c: {  	v12 =	vor.u32 v13, v12;
	_ =	sdelay $0x3  }
0x5d: {  	v15 =	vadd.s32 v5, v15;
	[tilespmem:v17+s19+$0x0] =	vst.idx.msk $0xffff, v16  }
0x5e: {  	v14 =	vor.u32 v15, v14;
	v15 =	vor.u32 s26, v10;
	v12 =	vld.idx.msk [tilespmem:v12+s15+$0x0], $0xffff  }
0x5f: {  	v13 =	vor.u32 v13, v14;
	_ =	sdelay $0x3  }
0x60: {  	s24 =	simm.s32 $0x10;
	[tilespmem:v15+s19+$0x0] =	vst.idx.msk $0xffff, v12  }
0x61: {  	v12 =	vor.u32 s24, v0;
	v15 =	vor.u32 s26, v11;
	v13 =	vld.idx.msk [tilespmem:v13+s15+$0x0], $0xffff  }
0x62: {  	s25 =	simm.s32 $0x20;
	v14 =	vand.u32 v1, v12  }
.LBB2_4:
0x63: {  	_ =	sdelay $0x1  }
0x64: {  	p1 =	sne.s32 s25, $0x1F0  }
0x65: {  	s23 =	sadd.s32 $0x40, s23;
	s26 =	smov.u32 s25;
	s25 =	sadd.s32 $0x10, s25;
	[tilespmem:v15+s19+$0x0] =	vst.idx.msk $0xffff, v13  }
0x66: {  	v13 =	vld.idx.msk [tilespmem:v14+s4+$0x0], $0xffff;
	_ =	sdelay $0x3  }
0x67: {  	v14 =	vmov s24  }
0x68: {  	v14 =	vshll.u32 v14, $0x4  }
0x69: {  	v12 =	vshll.u32 v12, $0x4;
	v16 =	vadd.s32 v6, v14;
	v15 =	vand.u32 $0x8, v13  }
0x6a: {  	v17 =	vadd.s32 v7, v14;
	v13 =	vand.u32 $0x7, v13;
	v12 =	vor.u32 v12, v15  }
0x6b: {  	v14 =	vadd.s32 v5, v14;
	v16 =	vor.u32 v16, v15;
	v12 =	vor.u32 v13, v12  }
0x6c: {  	v17 =	vor.u32 v17, v15;
	v14 =	vor.u32 v14, v15;
	v16 =	vor.u32 v13, v16  }
0x6d: {  	v15 =	vor.u32 v13, v17;
	v13 =	vor.u32 v13, v14  }
0x6e: {  	s29 =	sand.u32 $0x70, s24;
	s28 =	sand.u32 $0x600, s23;
	s24 =	smov.u32 s26  }
0x6f: {  	s26 =	sor.u32 s29, s28  }
0x70: {  	v14 =	vor.u32 s26, v0;
	v12 =	vld.idx.msk [tilespmem:v12+s15+$0x0], $0xffff  }
0x71: {  	v14 =	vand.u32 v8, v14;
	_ =	sdelay $0x4  }
0x72: {  	[tilespmem:v14+s19+$0x0] =	vst.idx.msk $0xffff, v12  }
0x73: {  	v12 =	vld.idx.msk [tilespmem:v15+s15+$0x0], $0xffff  }
0x74: {  	v14 =	vor.u32 s26, v9;
	_ =	sdelay $0x4  }
0x75: {  	[tilespmem:v14+s19+$0x0] =	vst.idx.msk $0xffff, v12  }
0x76: {  	v12 =	vld.idx.msk [tilespmem:v16+s15+$0x0], $0xffff  }
0x77: {  	v14 =	vor.u32 s26, v10;
	_ =	sdelay $0x3  }
.Ltmp1:
0x78: {  	(pc) =	sbr.rel @p1 .LBB2_4-.Ltmp1, $4  }
0x79: {  	[tilespmem:v14+s19+$0x0] =	vst.idx.msk $0xffff, v12  }
0x7a: {  	v13 =	vld.idx.msk [tilespmem:v13+s15+$0x0], $0xffff  }
0x7b: {  	v15 =	vor.u32 s26, v11;
	v12 =	vor.u32 s24, v0  }
0x7c: {  	v14 =	vand.u32 v1, v12  }
0x7d: {  	_ =	sdelay $0x3  }
0x7e: {  	[tilespmem:v15+s19+$0x0] =	vst.idx.msk $0xffff, v13  }
0x7f: {  	v13 =	vld.idx.msk [tilespmem:v14+s4+$0x0], $0xffff;
	_ =	sdelay $0x4  }
0x80: {  	v12 =	vshll.u32 v12, $0x4;
	v14 =	vand.u32 $0x8, v13  }
0x81: {  	v13 =	vand.u32 $0x7, v13;
	v12 =	vor.u32 v12, v14  }
0x82: {  	v12 =	vor.u32 v13, v12  }
0x83: {  	s23 =	sadd.s32 $0x40, s23  }
0x84: {  	s30 =	sand.u32 $0x70, s24;
	s23 =	sand.u32 $0x600, s23;
	v15 =	vmov s24  }
0x85: {  	s23 =	sor.u32 s30, s23;
	v15 =	vshll.u32 v15, $0x4  }
0x86: {  	v17 =	vor.u32 s23, v0;
	v16 =	vadd.s32 v7, v15  }
0x87: {  	v17 =	vand.u32 v8, v17;
	v16 =	vor.u32 v16, v14;
	v12 =	vld.idx.msk [tilespmem:v12+s15+$0x0], $0xffff  }
0x88: {  	v16 =	vor.u32 v13, v16;
	_ =	sdelay $0x3  }
0x89: {  	[tilespmem:v17+s19+$0x0] =	vst.idx.msk $0xffff, v12;
	v12 =	vadd.s32 v6, v15  }
0x8a: {  	v17 =	vor.u32 s23, v9;
	v12 =	vor.u32 v12, v14;
	v16 =	vld.idx.msk [tilespmem:v16+s15+$0x0], $0xffff  }
0x8b: {  	v12 =	vor.u32 v13, v12;
	_ =	sdelay $0x3  }
0x8c: {  	v15 =	vadd.s32 v5, v15;
	[tilespmem:v17+s19+$0x0] =	vst.idx.msk $0xffff, v16  }
0x8d: {  	v14 =	vor.u32 v15, v14;
	v15 =	vor.u32 s23, v10;
	v12 =	vld.idx.msk [tilespmem:v12+s15+$0x0], $0xffff  }
0x8e: {  	v13 =	vor.u32 v13, v14;
	_ =	sdelay $0x3  }
0x8f: {  	[tilespmem:v15+s19+$0x0] =	vst.idx.msk $0xffff, v12  }
0x90: {  	v12 =	vld.idx.msk [tilespmem:v13+s15+$0x0], $0xffff;
	v13 =	vor.u32 s23, v11;
	_ =	sdelay $0x4  }
0x91: {  	s23 =	simm.s32 $0x0;
	[tilespmem:v13+s19+$0x0] =	vst.idx.msk $0xffff, v12  }
0x92: {  	[hbm4b:s8+s23] =	stream.linear.scatter [tilespmem:s19], [sflag:$0x3], $0x800, $0x38;
	[tilespmem:$0x10010] =	vst v63  }
0x93: {  	v12 =	vor.u32 s23, v0;
	_ =	swait.ge [sflag:s11], $0x800  }
0x94: {  	v13 =	vand.u32 v1, v12;
	[sflag:s11] =	ssyncset.done $0x0  }
0x95: {  	[sflag:s11] =	ssyncadd.s32 $0xFFFFF800  }
0x96: {  	_ =	swait.ge [sflag:s20], $0x6000  }
0x97: {  	[sflag:s20] =	ssyncset.done $0x0  }
0x98: {  	[sflag:s20] =	ssyncadd.s32 $0xFFFFA000  }
0x99: {  	v13 =	vld.idx.msk [tilespmem:v13+s4+$0x0], $0xffff;
	_ =	sdelay $0x4  }
0x9a: {  	v12 =	vshll.u32 v12, $0x4;
	v14 =	vand.u32 $0x8, v13  }
0x9b: {  	v13 =	vand.u32 $0x7, v13;
	v12 =	vor.u32 v12, v14  }
0x9c: {  	v12 =	vor.u32 v13, v12;
	_ =	sdelay $0x1  }
0x9d: {  	v15 =	vmov s23;
	s31 =	sand.u32 $0x600, s23;
	s25 =	sand.u32 $0x70, s23  }
0x9e: {  	v15 =	vshll.u32 v15, $0x4;
	s26 =	sor.u32 s25, s31  }
0x9f: {  	v16 =	vadd.s32 v7, v15;
	v17 =	vor.u32 s26, v0  }
0xa0: {  	v17 =	vand.u32 v8, v17;
	v16 =	vor.u32 v16, v14;
	v12 =	vld.idx.msk [tilespmem:v12+s17+$0x0], $0xffff  }
0xa1: {  	v16 =	vor.u32 v13, v16;
	_ =	sdelay $0x3  }
0xa2: {  	v15 =	vadd.s32 v6, v15;
	[tilespmem:v17+s21+$0x0] =	vst.idx.msk $0xffff, v12  }
0xa3: {  	v12 =	vor.u32 v15, v14;
	v15 =	vor.u32 s26, v9;
	v14 =	vld.idx.msk [tilespmem:v16+s17+$0x0], $0xffff  }
0xa4: {  	v13 =	vor.u32 v13, v12;
	_ =	sdelay $0x3  }
0xa5: {  	s24 =	simm.s32 $0x10;
	[tilespmem:v15+s21+$0x0] =	vst.idx.msk $0xffff, v14  }
0xa6: {  	v12 =	vor.u32 s24, v0;
	v15 =	vor.u32 s26, v10;
	v13 =	vld.idx.msk [tilespmem:v13+s17+$0x0], $0xffff  }
0xa7: {  	s25 =	simm.s32 $0x20;
	v14 =	vand.u32 v1, v12  }
.LBB2_6:
0xa8: {  	_ =	sdelay $0x1  }
0xa9: {  	p1 =	sne.s32 s25, $0x1F0  }
0xaa: {  	s23 =	sadd.s32 $0x40, s23;
	s26 =	smov.u32 s25;
	s25 =	sadd.s32 $0x10, s25;
	[tilespmem:v15+s21+$0x0] =	vst.idx.msk $0xffff, v13  }
0xab: {  	v13 =	vld.idx.msk [tilespmem:v14+s4+$0x0], $0xffff;
	_ =	sdelay $0x3  }
0xac: {  	v14 =	vmov s24  }
0xad: {  	v14 =	vshll.u32 v14, $0x4  }
0xae: {  	v12 =	vshll.u32 v12, $0x4;
	v16 =	vadd.s32 v7, v14;
	v15 =	vand.u32 $0x8, v13  }
0xaf: {  	v13 =	vand.u32 $0x7, v13;
	v12 =	vor.u32 v12, v15;
	v16 =	vor.u32 v16, v15  }
0xb0: {  	v14 =	vadd.s32 v6, v14;
	v12 =	vor.u32 v13, v12;
	v16 =	vor.u32 v13, v16  }
0xb1: {  	v14 =	vor.u32 v14, v15  }
0xb2: {  	v13 =	vor.u32 v13, v14  }
0xb3: {  	s29 =	sand.u32 $0x70, s24;
	s28 =	sand.u32 $0x600, s23;
	s24 =	smov.u32 s26  }
0xb4: {  	s26 =	sor.u32 s29, s28  }
0xb5: {  	v14 =	vor.u32 s26, v0;
	v12 =	vld.idx.msk [tilespmem:v12+s17+$0x0], $0xffff  }
0xb6: {  	v14 =	vand.u32 v8, v14;
	_ =	sdelay $0x4  }
0xb7: {  	[tilespmem:v14+s21+$0x0] =	vst.idx.msk $0xffff, v12  }
0xb8: {  	v12 =	vld.idx.msk [tilespmem:v16+s17+$0x0], $0xffff  }
0xb9: {  	v14 =	vor.u32 s26, v9;
	_ =	sdelay $0x3  }
.Ltmp2:
0xba: {  	(pc) =	sbr.rel @p1 .LBB2_6-.Ltmp2, $4  }
0xbb: {  	[tilespmem:v14+s21+$0x0] =	vst.idx.msk $0xffff, v12  }
0xbc: {  	v13 =	vld.idx.msk [tilespmem:v13+s17+$0x0], $0xffff  }
0xbd: {  	v15 =	vor.u32 s26, v10;
	v12 =	vor.u32 s24, v0  }
0xbe: {  	v14 =	vand.u32 v1, v12  }
0xbf: {  	_ =	sdelay $0x3  }
0xc0: {  	[tilespmem:v15+s21+$0x0] =	vst.idx.msk $0xffff, v13  }
0xc1: {  	v13 =	vld.idx.msk [tilespmem:v14+s4+$0x0], $0xffff;
	_ =	sdelay $0x4  }
0xc2: {  	v12 =	vshll.u32 v12, $0x4;
	v14 =	vand.u32 $0x8, v13  }
0xc3: {  	v13 =	vand.u32 $0x7, v13;
	v12 =	vor.u32 v12, v14  }
0xc4: {  	v12 =	vor.u32 v13, v12  }
0xc5: {  	s23 =	sadd.s32 $0x40, s23  }
0xc6: {  	v59 =	vmov s24;
	s31 =	sand.u32 $0x70, s24;
	s23 =	sand.u32 $0x600, s23  }
0xc7: {  	v15 =	vshll.u32 v59, $0x4;
	s23 =	sor.u32 s31, s23  }
0xc8: {  	v16 =	vadd.s32 v7, v15;
	v17 =	vor.u32 s23, v0  }
0xc9: {  	v17 =	vand.u32 v8, v17;
	v16 =	vor.u32 v16, v14;
	v12 =	vld.idx.msk [tilespmem:v12+s17+$0x0], $0xffff  }
0xca: {  	v16 =	vor.u32 v13, v16;
	_ =	sdelay $0x3  }
0xcb: {  	v60 =	vadd.s32 v6, v15;
	[tilespmem:v17+s21+$0x0] =	vst.idx.msk $0xffff, v12  }
0xcc: {  	v62 =	vor.u32 s23, v9;
	v12 =	vor.u32 v60, v14;
	v61 =	vld.idx.msk [tilespmem:v16+s17+$0x0], $0xffff  }
0xcd: {  	v12 =	vor.u32 v13, v12;
	_ =	sdelay $0x3  }
0xce: {  	[tilespmem:v62+s21+$0x0] =	vst.idx.msk $0xffff, v61  }
0xcf: {  	v63 =	vor.u32 s23, v10;
	v12 =	vld.idx.msk [tilespmem:v12+s17+$0x0], $0xffff;
	_ =	sdelay $0x2  }
0xd0: {  	s22 =	sadd.s32 $0x1, s22  }
0xd1: {  	p1 =	sne.s32 s22, s10  }
.Ltmp3:
0xd2: {  	[tilespmem:v63+s21+$0x0] =	vst.idx.msk $0xffff, v12;
	(pc) =	sbr.rel @p1 .LBB2_1-.Ltmp3, $4  }
0xd3: {  	[hbm4b:s9+s4] =	stream.linear.scatter [tilespmem:s21], [sflag:$0x3], $0x800, $0x38;
	[tilespmem:$0x10010] =	vst v63  }
0xd4: {  	_ =	swait.ge [sflag:s11], $0x800  }
0xd5: {  	[sflag:s11] =	ssyncset.done $0x0  }
0xd6: {  	[sflag:s11] =	ssyncadd.s32 $0xFFFFF800  }
0xd7: {  	_ =	sfence.sel $0x180000  }
0xd8: {  	[bflag:$0x0] =	sbarrier.arrive $0xFFFF  }
0xd9: {  	p0 =	sne.s32 s3, $0x0;
	_ =	strace $0x90000047  }
0xda: {  	s0 =	sadd.s32 @!p0 $0x100000, s0;
	[bflag:$0x2] =	sbarrier.arrive $0xFFFF  }
0xdb: {  	[sflag:s0] =	ssyncadd.tile.s32 @!p0 $0x1;
	_ =	shalt  }
.Lfunc_end2:
_tile_overlayer_lowered:
.L_overlay_start_2:
0xdc: {  	(tag) =	ssettag $0x2  }
0xdd: {  	s0 =	rddreg [dreg:$0x0];
	s2 =	stileid.u32  }
0xde: {  	s1 =	rddreg [dreg:$0x1];
	p0 =	sne.s32 s2, $0x0  }
0xdf: {  	s3 =	rddreg [dreg:$0x2];
	[bflag:$0x3] =	sbarrier.arrive $0xFFFF;
	s2 =	simm.s32 @!p0 $0x1C03  }
0xe0: {  	[timem:s3], [sflag:s2] =	dma.local @!p0 [hbm:s0], s1  }
0xe1: {  	s0 =	simm.s32 @!p0 $0x3  }
0xe2: {  	_ =	swait.ge @!p0 [sflag:s0], s1  }
0xe3: {  	s1 =	ssub.s32 @!p0 $0x0, s1;
	[sflag:s0] =	ssyncset.done @!p0 $0x0  }
0xe4: {  	[sflag:s0] =	ssyncadd.s32 @!p0 s1  }
0xe5: {  	[bflag:$0x3] =	sbarrier.arrive $0xFFFF  }
0xe6: {  	_ =	shalt  }

</sc_bundles>
